<compile_context>
chip_gen: v7x
topology: tpu7x:2x2x1
jax: 0.10.2.dev20260603
libtpu: 0.0.44.dev20260713+nightly
codegen_flags: <defaults>
</compile_context>

<pallas_src>
import functools

import jax
import jax.numpy as jnp
from jax import lax
from jax.experimental import pallas as pl
from jax.experimental.pallas import tpu as pltpu
from jax.experimental.pallas import tpu_sc as plsc

NUM_WORKERS = 32
CHUNK = 128
NBUF = 2
PRE = 2


@functools.cache
def _build(n_total, n_chunks, embed_dim, n_rows):
    mesh = plsc.VectorSubcoreMesh(core_axis_name="c", subcore_axis_name="s")
    n_sub = 16
    rows_per_sub = (n_rows - 1) // n_sub
    rem_base = rows_per_sub * n_sub
    rem = n_rows - rem_base

    @functools.partial(
        pl.kernel,
        mesh=mesh,
        out_type=jax.ShapeDtypeStruct((n_total, embed_dim), jnp.float32),
        scratch_types=[
            pltpu.VMEM((n_chunks, CHUNK), jnp.int32),
            pltpu.VMEM((NBUF, CHUNK, embed_dim), jnp.float32),
            pltpu.VMEM_SHARED((n_rows, embed_dim), jnp.float32),
            pltpu.SemaphoreType.DMA,
            pltpu.SemaphoreType.DMA,
            pltpu.SemaphoreType.DMA,
            pltpu.SemaphoreType.DMA,
        ],
    )
    def gather_kernel(idx_hbm, table_hbm, out_hbm, idx_v, rows_v, table_sp,
                      gsem, osem, ssem, isem):
        sid = lax.axis_index("s")
        wid = sid * 2 + lax.axis_index("c")
        base = wid * (n_chunks * CHUNK)
        head = 8
        pltpu.sync_copy(idx_hbm.at[wid, pl.ds(0, head)], idx_v.at[pl.ds(0, head)])
        idx_rest = pltpu.async_copy(
            idx_hbm.at[wid, pl.ds(head, n_chunks - head)],
            idx_v.at[pl.ds(head, n_chunks - head)],
            isem,
        )

        stage = pltpu.async_copy(
            table_hbm.at[pl.ds(sid * rows_per_sub, rows_per_sub)],
            table_sp.at[pl.ds(sid * rows_per_sub, rows_per_sub)],
            ssem,
        )

        @pl.when(sid == 0)
        def _():
            pltpu.async_copy(
                table_hbm.at[pl.ds(rem_base, rem)],
                table_sp.at[pl.ds(rem_base, rem)],
                ssem,
            )

        def start_gather(src, buf, chunk):
            pltpu.async_copy(src.at[idx_v.at[chunk]], rows_v.at[buf], gsem)

        def wait_gather(src, buf, chunk):
            pltpu.make_async_copy(
                src.at[idx_v.at[chunk]], rows_v.at[buf], gsem
            ).wait()

        def start_out(buf, chunk):
            pltpu.async_copy(
                rows_v.at[buf],
                out_hbm.at[pl.ds(base + chunk * CHUNK, CHUNK)],
                osem,
            )

        def wait_out(buf):
            pltpu.make_async_copy(
                rows_v.at[buf], out_hbm.at[pl.ds(base, CHUNK)], osem
            ).wait()

        for b in range(NBUF):
            start_gather(table_hbm, b, b)
        for j in range(PRE // NBUF):
            first = j * NBUF
            for b in range(NBUF):
                wait_gather(table_hbm, b, first + b)
                start_out(b, first + b)
            for b in range(NBUF):
                wait_out(b)
                nxt = first + NBUF + b
                if nxt < PRE:
                    start_gather(table_hbm, b, nxt)

        stage.wait()
        idx_rest.wait()

        @pl.when(sid == 0)
        def _():
            pltpu.make_async_copy(
                table_hbm.at[pl.ds(rem_base, rem)],
                table_sp.at[pl.ds(rem_base, rem)],
                ssem,
            ).wait()

        plsc.subcore_barrier()

        for b in range(NBUF):
            start_gather(table_sp, b, PRE + b)

        def body(j, carry):
            first = PRE + j * NBUF
            for b in range(NBUF):
                wait_gather(table_sp, b, first + b)
                start_out(b, first + b)
            for b in range(NBUF):
                wait_out(b)
                nxt = first + NBUF + b

                @pl.when(nxt < n_chunks)
                def _():
                    start_gather(table_sp, b, nxt)

            return carry

        lax.fori_loop(0, (n_chunks - PRE) // NBUF, body, 0)

    return gather_kernel


def kernel(position_ids, table):
    n_total = position_ids.size
    embed_dim = table.shape[1]
    n_chunks = n_total // (NUM_WORKERS * CHUNK)
    idx3 = position_ids.reshape(NUM_WORKERS, n_chunks, CHUNK)
    out = _build(n_total, n_chunks, embed_dim, table.shape[0])(idx3, table)
    return out.reshape(position_ids.shape + (embed_dim,))

# --- scband reference (transcript-rebuilt; emitter-appended) ---
"""Pipeline reference for scband-positional-encoding-88802743812444 (READ-ONLY COPY).

The authoritative reference and input builder live on the scoring server;
editing this copy changes nothing except your own understanding.
"""

import jax, jax.numpy as jnp
import numpy as np

EMBED_DIM = 128
MAX_LENGTH = 8192
PAD_POS = 0
FREQ_BASE = 10000
NUM_POSITIONS = MAX_LENGTH + 1


def sinusoidal_table(num_positions, embedding_dim, freq_base=10000, pad_token_position=0):
    k = np.arange(embedding_dim)
    inv_freq = 1.0 / np.power(float(freq_base), 2.0 * (k // 2 + 1) / embedding_dim)
    pos = np.arange(num_positions, dtype=np.float64)[:, None]
    pe = pos * inv_freq[None, :]
    pe[pad_token_position, :] = 0.0
    pe[1:, 0::2] = np.sin(pe[1:, 0::2])
    pe[1:, 1::2] = np.cos(pe[1:, 1::2])
    return jnp.asarray(pe, dtype=jnp.float32)


def setup_inputs(seed: int = 0) -> dict:
    key = jax.random.key(seed)
    position_ids = jax.random.randint(key, (32, 8192), 0, 8192, dtype=jnp.int32)
    table = sinusoidal_table(NUM_POSITIONS, EMBED_DIM, FREQ_BASE, PAD_POS)
    return {"position_ids": position_ids, "table": table}


def reference(position_ids, table):
    # nn.Embedding lookup -> row gather from the (frozen) sinusoidal table
    return jnp.take(table, position_ids, axis=0)

if __name__ == "__main__":
    import jax
    _d = setup_inputs()
    print(jax.jit(kernel)(*tuple(_d.values())))

</pallas_src>

<mosaic_0001>
#map = affine_map<(d0, d1) -> (0, 0, 0)>
#map1 = affine_map<(d0, d1) -> (0, 0)>
module attributes {stable_mosaic.version = 14 : i64} {
  func.func @gather_kernel(%arg0: i32, %arg1: i32, %arg2: memref<32x64x128xi32, #tpu.memory_space<hbm>>, %arg3: memref<8193x128xf32, #tpu.memory_space<hbm>>, %arg4: memref<262144x128xf32, #tpu.memory_space<hbm>>, %arg5: memref<64x128xi32, #tpu.memory_space<vmem>>, %arg6: memref<2x128x128xf32, #tpu.memory_space<vmem>>, %arg7: memref<8193x128xf32, #tpu.memory_space<vmem_shared>>, %arg8: memref<!tpu.dma_semaphore, #tpu.memory_space<semaphore_mem>>, %arg9: memref<!tpu.dma_semaphore, #tpu.memory_space<semaphore_mem>>, %arg10: memref<!tpu.dma_semaphore, #tpu.memory_space<semaphore_mem>>, %arg11: memref<!tpu.dma_semaphore, #tpu.memory_space<semaphore_mem>>) attributes {dimension_semantics = [#tpu.dimension_semantics<core_parallel>, #tpu.dimension_semantics<subcore_parallel>], iteration_bounds = array<i64: 2, 16>, scalar_prefetch = 0 : i64, scratch_operands = 7 : i64, tpu.core_type = #tpu.core_type<sc_vector_subcore>, window_params = [{transform_indices = #map}, {transform_indices = #map1}, {transform_indices = #map1}]} {
    %mul3A = arith.constant 2 : i32
    %mul3A_0 = arith.muli %arg1, %mul3A : i32
    %add3A = arith.addi %mul3A_0, %arg0 : i32
    %mul3A_1 = arith.constant 8192 : i32
    %mul3A_2 = arith.muli %add3A, %mul3A_1 : i32
    "tpu.region"() ({
      %run_scoped3A = tpu.sem_alloc : memref<!tpu.dma_semaphore, #tpu.memory_space<semaphore_mem>>
      %dma_start3A_181 = arith.constant 0 : i32
      %dma_start3A_182 = arith.constant 0 : i32
      %dma_start3A_183 = tpu.memref_slice %arg5[%dma_start3A_181, %dma_start3A_182] : memref<64x128xi32, #tpu.memory_space<vmem>> -> memref<8x128xi32, #tpu.memory_space<vmem>>
      %dma_start3A_184 = arith.constant 0 : i32
      %dma_start3A_185 = arith.constant 0 : i32
      %dma_start3A_186 = tpu.memref_slice %arg2[%add3A, %dma_start3A_184, %dma_start3A_185] : memref<32x64x128xi32, #tpu.memory_space<hbm>> -> memref<1x8x128xi32, #tpu.memory_space<hbm>>
      %dma_start3A_187 = tpu.memref_squeeze %dma_start3A_186 : memref<1x8x128xi32, #tpu.memory_space<hbm>> -> memref<8x128xi32, #tpu.memory_space<hbm>>
      %dma_start3A_188 = arith.constant 0 : i32
      %dma_start3A_189 = arith.constant 0 : i32
      %dma_start3A_190 = tpu.memref_slice %arg5[%dma_start3A_188, %dma_start3A_189] : memref<64x128xi32, #tpu.memory_space<vmem>> -> memref<8x128xi32, #tpu.memory_space<vmem>>
      %dma_start3A_191 = arith.constant 0 : i32
      %dma_start3A_192 = arith.constant 0 : i32
      %dma_start3A_193 = tpu.memref_slice %arg2[%add3A, %dma_start3A_191, %dma_start3A_192] : memref<32x64x128xi32, #tpu.memory_space<hbm>> -> memref<1x8x128xi32, #tpu.memory_space<hbm>>
      %dma_start3A_194 = tpu.memref_squeeze %dma_start3A_193 : memref<1x8x128xi32, #tpu.memory_space<hbm>> -> memref<8x128xi32, #tpu.memory_space<hbm>>
      tpu.enqueue_dma source(%dma_start3A_194 : memref<8x128xi32, #tpu.memory_space<hbm>>) target(%dma_start3A_190 : memref<8x128xi32, #tpu.memory_space<vmem>>) target_semaphore(%run_scoped3A : memref<!tpu.dma_semaphore, #tpu.memory_space<semaphore_mem>>)
      %dma_wait3A_195 = arith.constant 0 : i32
      %dma_wait3A_196 = arith.constant 0 : i32
      %dma_wait3A_197 = tpu.memref_slice %arg5[%dma_wait3A_195, %dma_wait3A_196] : memref<64x128xi32, #tpu.memory_space<vmem>> -> memref<8x128xi32, #tpu.memory_space<vmem>>
      %dma_wait3A_198 = arith.constant 0 : i32
      %dma_wait3A_199 = arith.constant 0 : i32
      %dma_wait3A_200 = tpu.memref_slice %arg2[%add3A, %dma_wait3A_198, %dma_wait3A_199] : memref<32x64x128xi32, #tpu.memory_space<hbm>> -> memref<1x8x128xi32, #tpu.memory_space<hbm>>
      %dma_wait3A_201 = tpu.memref_squeeze %dma_wait3A_200 : memref<1x8x128xi32, #tpu.memory_space<hbm>> -> memref<8x128xi32, #tpu.memory_space<hbm>>
      %dma_wait3A_202 = arith.constant 0 : i32
      %dma_wait3A_203 = arith.constant 0 : i32
      %dma_wait3A_204 = tpu.memref_slice %arg5[%dma_wait3A_202, %dma_wait3A_203] : memref<64x128xi32, #tpu.memory_space<vmem>> -> memref<8x128xi32, #tpu.memory_space<vmem>>
      %dma_wait3A_205 = arith.constant 0 : i32
      %dma_wait3A_206 = arith.constant 0 : i32
      %dma_wait3A_207 = tpu.memref_slice %arg2[%add3A, %dma_wait3A_205, %dma_wait3A_206] : memref<32x64x128xi32, #tpu.memory_space<hbm>> -> memref<1x8x128xi32, #tpu.memory_space<hbm>>
      %dma_wait3A_208 = tpu.memref_squeeze %dma_wait3A_207 : memref<1x8x128xi32, #tpu.memory_space<hbm>> -> memref<8x128xi32, #tpu.memory_space<hbm>>
      tpu.wait_dma2 semaphore(%run_scoped3A : memref<!tpu.dma_semaphore, #tpu.memory_space<semaphore_mem>>) src(%dma_wait3A_208 : memref<8x128xi32, #tpu.memory_space<hbm>>) dst(%dma_wait3A_204 : memref<8x128xi32, #tpu.memory_space<vmem>>)
      tpu.yield
    }) : () -> ()
    %dma_start3A = arith.constant 8 : i32
    %dma_start3A_3 = arith.constant 0 : i32
    %dma_start3A_4 = tpu.memref_slice %arg5[%dma_start3A, %dma_start3A_3] : memref<64x128xi32, #tpu.memory_space<vmem>> -> memref<56x128xi32, #tpu.memory_space<vmem>>
    %dma_start3A_5 = arith.constant 8 : i32
    %dma_start3A_6 = arith.constant 0 : i32
    %dma_start3A_7 = tpu.memref_slice %arg2[%add3A, %dma_start3A_5, %dma_start3A_6] : memref<32x64x128xi32, #tpu.memory_space<hbm>> -> memref<1x56x128xi32, #tpu.memory_space<hbm>>
    %dma_start3A_8 = tpu.memref_squeeze %dma_start3A_7 : memref<1x56x128xi32, #tpu.memory_space<hbm>> -> memref<56x128xi32, #tpu.memory_space<hbm>>
    %dma_start3A_9 = arith.constant 8 : i32
    %dma_start3A_10 = arith.constant 0 : i32
    %dma_start3A_11 = tpu.memref_slice %arg5[%dma_start3A_9, %dma_start3A_10] : memref<64x128xi32, #tpu.memory_space<vmem>> -> memref<56x128xi32, #tpu.memory_space<vmem>>
    %dma_start3A_12 = arith.constant 8 : i32
    %dma_start3A_13 = arith.constant 0 : i32
    %dma_start3A_14 = tpu.memref_slice %arg2[%add3A, %dma_start3A_12, %dma_start3A_13] : memref<32x64x128xi32, #tpu.memory_space<hbm>> -> memref<1x56x128xi32, #tpu.memory_space<hbm>>
    %dma_start3A_15 = tpu.memref_squeeze %dma_start3A_14 : memref<1x56x128xi32, #tpu.memory_space<hbm>> -> memref<56x128xi32, #tpu.memory_space<hbm>>
    tpu.enqueue_dma source(%dma_start3A_15 : memref<56x128xi32, #tpu.memory_space<hbm>>) target(%dma_start3A_11 : memref<56x128xi32, #tpu.memory_space<vmem>>) target_semaphore(%arg11 : memref<!tpu.dma_semaphore, #tpu.memory_space<semaphore_mem>>)
    %mul3A_16 = arith.constant 512 : i32
    %mul3A_17 = arith.muli %arg1, %mul3A_16 : i32
    %mul3A_18 = arith.constant 512 : i32
    %mul3A_19 = arith.muli %arg1, %mul3A_18 : i32
    %dma_start3A_20 = arith.constant 0 : i32
    %dma_start3A_21 = tpu.memref_slice %arg7[%mul3A_19, %dma_start3A_20] : memref<8193x128xf32, #tpu.memory_space<vmem_shared>> -> memref<512x128xf32, #tpu.memory_space<vmem_shared>>
    %dma_start3A_22 = arith.constant 0 : i32
    %dma_start3A_23 = tpu.memref_slice %arg3[%mul3A_17, %dma_start3A_22] : memref<8193x128xf32, #tpu.memory_space<hbm>> -> memref<512x128xf32, #tpu.memory_space<hbm>>
    tpu.enqueue_dma source(%dma_start3A_23 : memref<512x128xf32, #tpu.memory_space<hbm>>) target(%dma_start3A_21 : memref<512x128xf32, #tpu.memory_space<vmem_shared>>) target_semaphore(%arg10 : memref<!tpu.dma_semaphore, #tpu.memory_space<semaphore_mem>>)
    %eq3A = arith.constant 0 : i32
    %eq3A_24 = arith.cmpi eq, %arg1, %eq3A : i32
    %convert_element_type3A = arith.extui %eq3A_24 : i1 to i32
    %cond3A = arith.constant 0 : i32
    %cond3A_25 = arith.cmpi ne, %convert_element_type3A, %cond3A : i32
    scf.if %cond3A_25 {
      %dma_start3A_181 = arith.constant 8192 : i32
      %dma_start3A_182 = arith.constant 0 : i32
      %dma_start3A_183 = tpu.memref_slice %arg7[%dma_start3A_181, %dma_start3A_182] : memref<8193x128xf32, #tpu.memory_space<vmem_shared>> -> memref<1x128xf32, #tpu.memory_space<vmem_shared>>
      %dma_start3A_184 = arith.constant 8192 : i32
      %dma_start3A_185 = arith.constant 0 : i32
      %dma_start3A_186 = tpu.memref_slice %arg3[%dma_start3A_184, %dma_start3A_185] : memref<8193x128xf32, #tpu.memory_space<hbm>> -> memref<1x128xf32, #tpu.memory_space<hbm>>
      tpu.enqueue_dma source(%dma_start3A_186 : memref<1x128xf32, #tpu.memory_space<hbm>>) target(%dma_start3A_183 : memref<1x128xf32, #tpu.memory_space<vmem_shared>>) target_semaphore(%arg10 : memref<!tpu.dma_semaphore, #tpu.memory_space<semaphore_mem>>)
    } else {
    }
    %dma_start3A_26 = arith.constant 0 : i32
    %dma_start3A_27 = arith.constant 0 : i32
    %dma_start3A_28 = arith.constant 0 : i32
    %dma_start3A_29 = arith.constant 0 : i32
    %dma_start3A_30 = tpu.memref_slice %arg6[%dma_start3A_27, %dma_start3A_28, %dma_start3A_29] : memref<2x128x128xf32, #tpu.memory_space<vmem>> -> memref<1x128x128xf32, #tpu.memory_space<vmem>>
    %dma_start3A_31 = tpu.memref_squeeze %dma_start3A_30 : memref<1x128x128xf32, #tpu.memory_space<vmem>> -> memref<128x128xf32, #tpu.memory_space<vmem>>
    %dma_start3A_32 = arith.constant 0 : i32
    %dma_start3A_33 = tpu.memref_slice %arg5[%dma_start3A_26, %dma_start3A_32] : memref<64x128xi32, #tpu.memory_space<vmem>> -> memref<1x128xi32, #tpu.memory_space<vmem>>
    %dma_start3A_34 = tpu.memref_squeeze %dma_start3A_33 : memref<1x128xi32, #tpu.memory_space<vmem>> -> memref<128xi32, #tpu.memory_space<vmem>>
    %dma_start3A_35 = arith.constant 0 : i32
    %dma_start3A_36 = arith.constant 0 : i32
    %dma_start3A_37 = tpu.memref_slice %arg3[%dma_start3A_35, %dma_start3A_36] : memref<8193x128xf32, #tpu.memory_space<hbm>> -> memref<8193x128xf32, #tpu.memory_space<hbm>>
    tpu.enqueue_indirect_dma source(%dma_start3A_37 : memref<8193x128xf32, #tpu.memory_space<hbm>>) target(%dma_start3A_31 : memref<128x128xf32, #tpu.memory_space<vmem>>) offsets(%dma_start3A_34 : memref<128xi32, #tpu.memory_space<vmem>>) semaphore(%arg8 : memref<!tpu.dma_semaphore, #tpu.memory_space<semaphore_mem>>)
    %dma_start3A_38 = arith.constant 1 : i32
    %dma_start3A_39 = arith.constant 1 : i32
    %dma_start3A_40 = arith.constant 0 : i32
    %dma_start3A_41 = arith.constant 0 : i32
    %dma_start3A_42 = tpu.memref_slice %arg6[%dma_start3A_39, %dma_start3A_40, %dma_start3A_41] : memref<2x128x128xf32, #tpu.memory_space<vmem>> -> memref<1x128x128xf32, #tpu.memory_space<vmem>>
    %dma_start3A_43 = tpu.memref_squeeze %dma_start3A_42 : memref<1x128x128xf32, #tpu.memory_space<vmem>> -> memref<128x128xf32, #tpu.memory_space<vmem>>
    %dma_start3A_44 = arith.constant 0 : i32
    %dma_start3A_45 = tpu.memref_slice %arg5[%dma_start3A_38, %dma_start3A_44] : memref<64x128xi32, #tpu.memory_space<vmem>> -> memref<1x128xi32, #tpu.memory_space<vmem>>
    %dma_start3A_46 = tpu.memref_squeeze %dma_start3A_45 : memref<1x128xi32, #tpu.memory_space<vmem>> -> memref<128xi32, #tpu.memory_space<vmem>>
    %dma_start3A_47 = arith.constant 0 : i32
    %dma_start3A_48 = arith.constant 0 : i32
    %dma_start3A_49 = tpu.memref_slice %arg3[%dma_start3A_47, %dma_start3A_48] : memref<8193x128xf32, #tpu.memory_space<hbm>> -> memref<8193x128xf32, #tpu.memory_space<hbm>>
    tpu.enqueue_indirect_dma source(%dma_start3A_49 : memref<8193x128xf32, #tpu.memory_space<hbm>>) target(%dma_start3A_43 : memref<128x128xf32, #tpu.memory_space<vmem>>) offsets(%dma_start3A_46 : memref<128xi32, #tpu.memory_space<vmem>>) semaphore(%arg8 : memref<!tpu.dma_semaphore, #tpu.memory_space<semaphore_mem>>)
    %dma_wait3A = arith.constant 0 : i32
    %dma_wait3A_50 = arith.constant 0 : i32
    %dma_wait3A_51 = arith.constant 0 : i32
    %dma_wait3A_52 = arith.constant 0 : i32
    %dma_wait3A_53 = tpu.memref_slice %arg6[%dma_wait3A_50, %dma_wait3A_51, %dma_wait3A_52] : memref<2x128x128xf32, #tpu.memory_space<vmem>> -> memref<1x128x128xf32, #tpu.memory_space<vmem>>
    %dma_wait3A_54 = tpu.memref_squeeze %dma_wait3A_53 : memref<1x128x128xf32, #tpu.memory_space<vmem>> -> memref<128x128xf32, #tpu.memory_space<vmem>>
    %dma_wait3A_55 = arith.constant 0 : i32
    %dma_wait3A_56 = tpu.memref_slice %arg5[%dma_wait3A, %dma_wait3A_55] : memref<64x128xi32, #tpu.memory_space<vmem>> -> memref<1x128xi32, #tpu.memory_space<vmem>>
    %dma_wait3A_57 = tpu.memref_squeeze %dma_wait3A_56 : memref<1x128xi32, #tpu.memory_space<vmem>> -> memref<128xi32, #tpu.memory_space<vmem>>
    %dma_wait3A_58 = arith.constant 0 : i32
    %dma_wait3A_59 = arith.constant 0 : i32
    %dma_wait3A_60 = tpu.memref_slice %arg3[%dma_wait3A_58, %dma_wait3A_59] : memref<8193x128xf32, #tpu.memory_space<hbm>> -> memref<8193x128xf32, #tpu.memory_space<hbm>>
    tpu.wait_indirect_dma semaphore(%arg8 : memref<!tpu.dma_semaphore, #tpu.memory_space<semaphore_mem>>) src(%dma_wait3A_60 : memref<8193x128xf32, #tpu.memory_space<hbm>>) dst(%dma_wait3A_54 : memref<128x128xf32, #tpu.memory_space<vmem>>)
    %add3A_61 = arith.constant 0 : i32
    %add3A_62 = arith.addi %mul3A_2, %add3A_61 : i32
    %dma_start3A_63 = arith.constant 0 : i32
    %dma_start3A_64 = arith.constant 0 : i32
    %dma_start3A_65 = arith.constant 0 : i32
    %dma_start3A_66 = tpu.memref_slice %arg6[%dma_start3A_63, %dma_start3A_64, %dma_start3A_65] : memref<2x128x128xf32, #tpu.memory_space<vmem>> -> memref<1x128x128xf32, #tpu.memory_space<vmem>>
    %dma_start3A_67 = tpu.memref_squeeze %dma_start3A_66 : memref<1x128x128xf32, #tpu.memory_space<vmem>> -> memref<128x128xf32, #tpu.memory_space<vmem>>
    %dma_start3A_68 = arith.constant 0 : i32
    %dma_start3A_69 = tpu.memref_slice %arg4[%add3A_62, %dma_start3A_68] : memref<262144x128xf32, #tpu.memory_space<hbm>> -> memref<128x128xf32, #tpu.memory_space<hbm>>
    %dma_start3A_70 = arith.constant 0 : i32
    %dma_start3A_71 = tpu.memref_slice %arg4[%add3A_62, %dma_start3A_70] : memref<262144x128xf32, #tpu.memory_space<hbm>> -> memref<128x128xf32, #tpu.memory_space<hbm>>
    %dma_start3A_72 = arith.constant 0 : i32
    %dma_start3A_73 = arith.constant 0 : i32
    %dma_start3A_74 = tpu.memref_slice %arg6[%dma_start3A_63, %dma_start3A_72, %dma_start3A_73] : memref<2x128x128xf32, #tpu.memory_space<vmem>> -> memref<1x128x128xf32, #tpu.memory_space<vmem>>
    %dma_start3A_75 = tpu.memref_squeeze %dma_start3A_74 : memref<1x128x128xf32, #tpu.memory_space<vmem>> -> memref<128x128xf32, #tpu.memory_space<vmem>>
    tpu.enqueue_dma source(%dma_start3A_75 : memref<128x128xf32, #tpu.memory_space<vmem>>) target(%dma_start3A_71 : memref<128x128xf32, #tpu.memory_space<hbm>>) target_semaphore(%arg9 : memref<!tpu.dma_semaphore, #tpu.memory_space<semaphore_mem>>)
    %dma_wait3A_76 = arith.constant 1 : i32
    %dma_wait3A_77 = arith.constant 1 : i32
    %dma_wait3A_78 = arith.constant 0 : i32
    %dma_wait3A_79 = arith.constant 0 : i32
    %dma_wait3A_80 = tpu.memref_slice %arg6[%dma_wait3A_77, %dma_wait3A_78, %dma_wait3A_79] : memref<2x128x128xf32, #tpu.memory_space<vmem>> -> memref<1x128x128xf32, #tpu.memory_space<vmem>>
    %dma_wait3A_81 = tpu.memref_squeeze %dma_wait3A_80 : memref<1x128x128xf32, #tpu.memory_space<vmem>> -> memref<128x128xf32, #tpu.memory_space<vmem>>
    %dma_wait3A_82 = arith.constant 0 : i32
    %dma_wait3A_83 = tpu.memref_slice %arg5[%dma_wait3A_76, %dma_wait3A_82] : memref<64x128xi32, #tpu.memory_space<vmem>> -> memref<1x128xi32, #tpu.memory_space<vmem>>
    %dma_wait3A_84 = tpu.memref_squeeze %dma_wait3A_83 : memref<1x128xi32, #tpu.memory_space<vmem>> -> memref<128xi32, #tpu.memory_space<vmem>>
    %dma_wait3A_85 = arith.constant 0 : i32
    %dma_wait3A_86 = arith.constant 0 : i32
    %dma_wait3A_87 = tpu.memref_slice %arg3[%dma_wait3A_85, %dma_wait3A_86] : memref<8193x128xf32, #tpu.memory_space<hbm>> -> memref<8193x128xf32, #tpu.memory_space<hbm>>
    tpu.wait_indirect_dma semaphore(%arg8 : memref<!tpu.dma_semaphore, #tpu.memory_space<semaphore_mem>>) src(%dma_wait3A_87 : memref<8193x128xf32, #tpu.memory_space<hbm>>) dst(%dma_wait3A_81 : memref<128x128xf32, #tpu.memory_space<vmem>>)
    %add3A_88 = arith.constant 128 : i32
    %add3A_89 = arith.addi %mul3A_2, %add3A_88 : i32
    %dma_start3A_90 = arith.constant 1 : i32
    %dma_start3A_91 = arith.constant 0 : i32
    %dma_start3A_92 = arith.constant 0 : i32
    %dma_start3A_93 = tpu.memref_slice %arg6[%dma_start3A_90, %dma_start3A_91, %dma_start3A_92] : memref<2x128x128xf32, #tpu.memory_space<vmem>> -> memref<1x128x128xf32, #tpu.memory_space<vmem>>
    %dma_start3A_94 = tpu.memref_squeeze %dma_start3A_93 : memref<1x128x128xf32, #tpu.memory_space<vmem>> -> memref<128x128xf32, #tpu.memory_space<vmem>>
    %dma_start3A_95 = arith.constant 0 : i32
    %dma_start3A_96 = tpu.memref_slice %arg4[%add3A_89, %dma_start3A_95] : memref<262144x128xf32, #tpu.memory_space<hbm>> -> memref<128x128xf32, #tpu.memory_space<hbm>>
    %dma_start3A_97 = arith.constant 0 : i32
    %dma_start3A_98 = tpu.memref_slice %arg4[%add3A_89, %dma_start3A_97] : memref<262144x128xf32, #tpu.memory_space<hbm>> -> memref<128x128xf32, #tpu.memory_space<hbm>>
    %dma_start3A_99 = arith.constant 0 : i32
    %dma_start3A_100 = arith.constant 0 : i32
    %dma_start3A_101 = tpu.memref_slice %arg6[%dma_start3A_90, %dma_start3A_99, %dma_start3A_100] : memref<2x128x128xf32, #tpu.memory_space<vmem>> -> memref<1x128x128xf32, #tpu.memory_space<vmem>>
    %dma_start3A_102 = tpu.memref_squeeze %dma_start3A_101 : memref<1x128x128xf32, #tpu.memory_space<vmem>> -> memref<128x128xf32, #tpu.memory_space<vmem>>
    tpu.enqueue_dma source(%dma_start3A_102 : memref<128x128xf32, #tpu.memory_space<vmem>>) target(%dma_start3A_98 : memref<128x128xf32, #tpu.memory_space<hbm>>) target_semaphore(%arg9 : memref<!tpu.dma_semaphore, #tpu.memory_space<semaphore_mem>>)
    %dma_wait3A_103 = arith.constant 0 : i32
    %dma_wait3A_104 = arith.constant 0 : i32
    %dma_wait3A_105 = arith.constant 0 : i32
    %dma_wait3A_106 = tpu.memref_slice %arg6[%dma_wait3A_103, %dma_wait3A_104, %dma_wait3A_105] : memref<2x128x128xf32, #tpu.memory_space<vmem>> -> memref<1x128x128xf32, #tpu.memory_space<vmem>>
    %dma_wait3A_107 = tpu.memref_squeeze %dma_wait3A_106 : memref<1x128x128xf32, #tpu.memory_space<vmem>> -> memref<128x128xf32, #tpu.memory_space<vmem>>
    %dma_wait3A_108 = arith.constant 0 : i32
    %dma_wait3A_109 = tpu.memref_slice %arg4[%mul3A_2, %dma_wait3A_108] : memref<262144x128xf32, #tpu.memory_space<hbm>> -> memref<128x128xf32, #tpu.memory_space<hbm>>
    %dma_wait3A_110 = arith.constant 0 : i32
    %dma_wait3A_111 = tpu.memref_slice %arg4[%mul3A_2, %dma_wait3A_110] : memref<262144x128xf32, #tpu.memory_space<hbm>> -> memref<128x128xf32, #tpu.memory_space<hbm>>
    %dma_wait3A_112 = arith.constant 0 : i32
    %dma_wait3A_113 = arith.constant 0 : i32
    %dma_wait3A_114 = tpu.memref_slice %arg6[%dma_wait3A_103, %dma_wait3A_112, %dma_wait3A_113] : memref<2x128x128xf32, #tpu.memory_space<vmem>> -> memref<1x128x128xf32, #tpu.memory_space<vmem>>
    %dma_wait3A_115 = tpu.memref_squeeze %dma_wait3A_114 : memref<1x128x128xf32, #tpu.memory_space<vmem>> -> memref<128x128xf32, #tpu.memory_space<vmem>>
    tpu.wait_dma2 semaphore(%arg9 : memref<!tpu.dma_semaphore, #tpu.memory_space<semaphore_mem>>) src(%dma_wait3A_115 : memref<128x128xf32, #tpu.memory_space<vmem>>) dst(%dma_wait3A_111 : memref<128x128xf32, #tpu.memory_space<hbm>>)
    %dma_wait3A_116 = arith.constant 1 : i32
    %dma_wait3A_117 = arith.constant 0 : i32
    %dma_wait3A_118 = arith.constant 0 : i32
    %dma_wait3A_119 = tpu.memref_slice %arg6[%dma_wait3A_116, %dma_wait3A_117, %dma_wait3A_118] : memref<2x128x128xf32, #tpu.memory_space<vmem>> -> memref<1x128x128xf32, #tpu.memory_space<vmem>>
    %dma_wait3A_120 = tpu.memref_squeeze %dma_wait3A_119 : memref<1x128x128xf32, #tpu.memory_space<vmem>> -> memref<128x128xf32, #tpu.memory_space<vmem>>
    %dma_wait3A_121 = arith.constant 0 : i32
    %dma_wait3A_122 = tpu.memref_slice %arg4[%mul3A_2, %dma_wait3A_121] : memref<262144x128xf32, #tpu.memory_space<hbm>> -> memref<128x128xf32, #tpu.memory_space<hbm>>
    %dma_wait3A_123 = arith.constant 0 : i32
    %dma_wait3A_124 = tpu.memref_slice %arg4[%mul3A_2, %dma_wait3A_123] : memref<262144x128xf32, #tpu.memory_space<hbm>> -> memref<128x128xf32, #tpu.memory_space<hbm>>
    %dma_wait3A_125 = arith.constant 0 : i32
    %dma_wait3A_126 = arith.constant 0 : i32
    %dma_wait3A_127 = tpu.memref_slice %arg6[%dma_wait3A_116, %dma_wait3A_125, %dma_wait3A_126] : memref<2x128x128xf32, #tpu.memory_space<vmem>> -> memref<1x128x128xf32, #tpu.memory_space<vmem>>
    %dma_wait3A_128 = tpu.memref_squeeze %dma_wait3A_127 : memref<1x128x128xf32, #tpu.memory_space<vmem>> -> memref<128x128xf32, #tpu.memory_space<vmem>>
    tpu.wait_dma2 semaphore(%arg9 : memref<!tpu.dma_semaphore, #tpu.memory_space<semaphore_mem>>) src(%dma_wait3A_128 : memref<128x128xf32, #tpu.memory_space<vmem>>) dst(%dma_wait3A_124 : memref<128x128xf32, #tpu.memory_space<hbm>>)
    %dma_wait3A_129 = arith.constant 0 : i32
    %dma_wait3A_130 = tpu.memref_slice %arg7[%mul3A_19, %dma_wait3A_129] : memref<8193x128xf32, #tpu.memory_space<vmem_shared>> -> memref<512x128xf32, #tpu.memory_space<vmem_shared>>
    %dma_wait3A_131 = arith.constant 0 : i32
    %dma_wait3A_132 = tpu.memref_slice %arg3[%mul3A_17, %dma_wait3A_131] : memref<8193x128xf32, #tpu.memory_space<hbm>> -> memref<512x128xf32, #tpu.memory_space<hbm>>
    tpu.wait_dma2 semaphore(%arg10 : memref<!tpu.dma_semaphore, #tpu.memory_space<semaphore_mem>>) src(%dma_wait3A_132 : memref<512x128xf32, #tpu.memory_space<hbm>>) dst(%dma_wait3A_130 : memref<512x128xf32, #tpu.memory_space<vmem_shared>>)
    %dma_wait3A_133 = arith.constant 8 : i32
    %dma_wait3A_134 = arith.constant 0 : i32
    %dma_wait3A_135 = tpu.memref_slice %arg5[%dma_wait3A_133, %dma_wait3A_134] : memref<64x128xi32, #tpu.memory_space<vmem>> -> memref<56x128xi32, #tpu.memory_space<vmem>>
    %dma_wait3A_136 = arith.constant 8 : i32
    %dma_wait3A_137 = arith.constant 0 : i32
    %dma_wait3A_138 = tpu.memref_slice %arg2[%add3A, %dma_wait3A_136, %dma_wait3A_137] : memref<32x64x128xi32, #tpu.memory_space<hbm>> -> memref<1x56x128xi32, #tpu.memory_space<hbm>>
    %dma_wait3A_139 = tpu.memref_squeeze %dma_wait3A_138 : memref<1x56x128xi32, #tpu.memory_space<hbm>> -> memref<56x128xi32, #tpu.memory_space<hbm>>
    %dma_wait3A_140 = arith.constant 8 : i32
    %dma_wait3A_141 = arith.constant 0 : i32
    %dma_wait3A_142 = tpu.memref_slice %arg5[%dma_wait3A_140, %dma_wait3A_141] : memref<64x128xi32, #tpu.memory_space<vmem>> -> memref<56x128xi32, #tpu.memory_space<vmem>>
    %dma_wait3A_143 = arith.constant 8 : i32
    %dma_wait3A_144 = arith.constant 0 : i32
    %dma_wait3A_145 = tpu.memref_slice %arg2[%add3A, %dma_wait3A_143, %dma_wait3A_144] : memref<32x64x128xi32, #tpu.memory_space<hbm>> -> memref<1x56x128xi32, #tpu.memory_space<hbm>>
    %dma_wait3A_146 = tpu.memref_squeeze %dma_wait3A_145 : memref<1x56x128xi32, #tpu.memory_space<hbm>> -> memref<56x128xi32, #tpu.memory_space<hbm>>
    tpu.wait_dma2 semaphore(%arg11 : memref<!tpu.dma_semaphore, #tpu.memory_space<semaphore_mem>>) src(%dma_wait3A_146 : memref<56x128xi32, #tpu.memory_space<hbm>>) dst(%dma_wait3A_142 : memref<56x128xi32, #tpu.memory_space<vmem>>)
    %eq3A_147 = arith.constant 0 : i32
    %eq3A_148 = arith.cmpi eq, %arg1, %eq3A_147 : i32
    %convert_element_type3A_149 = arith.extui %eq3A_148 : i1 to i32
    %cond3A_150 = arith.constant 0 : i32
    %cond3A_151 = arith.cmpi ne, %convert_element_type3A_149, %cond3A_150 : i32
    scf.if %cond3A_151 {
      %dma_wait3A_181 = arith.constant 8192 : i32
      %dma_wait3A_182 = arith.constant 0 : i32
      %dma_wait3A_183 = tpu.memref_slice %arg7[%dma_wait3A_181, %dma_wait3A_182] : memref<8193x128xf32, #tpu.memory_space<vmem_shared>> -> memref<1x128xf32, #tpu.memory_space<vmem_shared>>
      %dma_wait3A_184 = arith.constant 8192 : i32
      %dma_wait3A_185 = arith.constant 0 : i32
      %dma_wait3A_186 = tpu.memref_slice %arg3[%dma_wait3A_184, %dma_wait3A_185] : memref<8193x128xf32, #tpu.memory_space<hbm>> -> memref<1x128xf32, #tpu.memory_space<hbm>>
      tpu.wait_dma2 semaphore(%arg10 : memref<!tpu.dma_semaphore, #tpu.memory_space<semaphore_mem>>) src(%dma_wait3A_186 : memref<1x128xf32, #tpu.memory_space<hbm>>) dst(%dma_wait3A_183 : memref<1x128xf32, #tpu.memory_space<vmem_shared>>)
    } else {
    }
    %barrier3A = arith.constant 0 : index
    tpu.barrier barrier_id(%barrier3A)
    %dma_start3A_152 = arith.constant 2 : i32
    %dma_start3A_153 = arith.constant 0 : i32
    %dma_start3A_154 = arith.constant 0 : i32
    %dma_start3A_155 = arith.constant 0 : i32
    %dma_start3A_156 = tpu.memref_slice %arg6[%dma_start3A_153, %dma_start3A_154, %dma_start3A_155] : memref<2x128x128xf32, #tpu.memory_space<vmem>> -> memref<1x128x128xf32, #tpu.memory_space<vmem>>
    %dma_start3A_157 = tpu.memref_squeeze %dma_start3A_156 : memref<1x128x128xf32, #tpu.memory_space<vmem>> -> memref<128x128xf32, #tpu.memory_space<vmem>>
    %dma_start3A_158 = arith.constant 0 : i32
    %dma_start3A_159 = tpu.memref_slice %arg5[%dma_start3A_152, %dma_start3A_158] : memref<64x128xi32, #tpu.memory_space<vmem>> -> memref<1x128xi32, #tpu.memory_space<vmem>>
    %dma_start3A_160 = tpu.memref_squeeze %dma_start3A_159 : memref<1x128xi32, #tpu.memory_space<vmem>> -> memref<128xi32, #tpu.memory_space<vmem>>
    %dma_start3A_161 = arith.constant 0 : i32
    %dma_start3A_162 = arith.constant 0 : i32
    %dma_start3A_163 = tpu.memref_slice %arg7[%dma_start3A_161, %dma_start3A_162] : memref<8193x128xf32, #tpu.memory_space<vmem_shared>> -> memref<8193x128xf32, #tpu.memory_space<vmem_shared>>
    tpu.enqueue_indirect_dma source(%dma_start3A_163 : memref<8193x128xf32, #tpu.memory_space<vmem_shared>>) target(%dma_start3A_157 : memref<128x128xf32, #tpu.memory_space<vmem>>) offsets(%dma_start3A_160 : memref<128xi32, #tpu.memory_space<vmem>>) semaphore(%arg8 : memref<!tpu.dma_semaphore, #tpu.memory_space<semaphore_mem>>)
    %dma_start3A_164 = arith.constant 3 : i32
    %dma_start3A_165 = arith.constant 1 : i32
    %dma_start3A_166 = arith.constant 0 : i32
    %dma_start3A_167 = arith.constant 0 : i32
    %dma_start3A_168 = tpu.memref_slice %arg6[%dma_start3A_165, %dma_start3A_166, %dma_start3A_167] : memref<2x128x128xf32, #tpu.memory_space<vmem>> -> memref<1x128x128xf32, #tpu.memory_space<vmem>>
    %dma_start3A_169 = tpu.memref_squeeze %dma_start3A_168 : memref<1x128x128xf32, #tpu.memory_space<vmem>> -> memref<128x128xf32, #tpu.memory_space<vmem>>
    %dma_start3A_170 = arith.constant 0 : i32
    %dma_start3A_171 = tpu.memref_slice %arg5[%dma_start3A_164, %dma_start3A_170] : memref<64x128xi32, #tpu.memory_space<vmem>> -> memref<1x128xi32, #tpu.memory_space<vmem>>
    %dma_start3A_172 = tpu.memref_squeeze %dma_start3A_171 : memref<1x128xi32, #tpu.memory_space<vmem>> -> memref<128xi32, #tpu.memory_space<vmem>>
    %dma_start3A_173 = arith.constant 0 : i32
    %dma_start3A_174 = arith.constant 0 : i32
    %dma_start3A_175 = tpu.memref_slice %arg7[%dma_start3A_173, %dma_start3A_174] : memref<8193x128xf32, #tpu.memory_space<vmem_shared>> -> memref<8193x128xf32, #tpu.memory_space<vmem_shared>>
    tpu.enqueue_indirect_dma source(%dma_start3A_175 : memref<8193x128xf32, #tpu.memory_space<vmem_shared>>) target(%dma_start3A_169 : memref<128x128xf32, #tpu.memory_space<vmem>>) offsets(%dma_start3A_172 : memref<128xi32, #tpu.memory_space<vmem>>) semaphore(%arg8 : memref<!tpu.dma_semaphore, #tpu.memory_space<semaphore_mem>>)
    %scan3A = arith.constant 0 : i32
    %scan3A_176 = arith.constant 0 : i32
    %scan3A_177 = arith.constant 31 : i32
    %scan3A_178 = arith.addi %scan3A_176, %scan3A_177 : i32
    %scan3A_179 = arith.constant 1 : i32
    scf.for %scan3A_181 = %scan3A_176 to %scan3A_178 step %scan3A_179  : i32 {
      %mul3A_182 = arith.constant 2 : i32
      %mul3A_183 = arith.muli %scan3A_181, %mul3A_182 : i32
      %add3A_184 = arith.constant 2 : i32
      %add3A_185 = arith.addi %add3A_184, %mul3A_183 : i32
      %add3A_186 = arith.constant 0 : i32
      %add3A_187 = arith.addi %add3A_185, %add3A_186 : i32
      %dma_wait3A_188 = arith.constant 0 : i32
      %dma_wait3A_189 = arith.constant 0 : i32
      %dma_wait3A_190 = arith.constant 0 : i32
      %dma_wait3A_191 = tpu.memref_slice %arg6[%dma_wait3A_188, %dma_wait3A_189, %dma_wait3A_190] : memref<2x128x128xf32, #tpu.memory_space<vmem>> -> memref<1x128x128xf32, #tpu.memory_space<vmem>>
      %dma_wait3A_192 = tpu.memref_squeeze %dma_wait3A_191 : memref<1x128x128xf32, #tpu.memory_space<vmem>> -> memref<128x128xf32, #tpu.memory_space<vmem>>
      %dma_wait3A_193 = arith.constant 0 : i32
      %dma_wait3A_194 = tpu.memref_slice %arg5[%add3A_187, %dma_wait3A_193] : memref<64x128xi32, #tpu.memory_space<vmem>> -> memref<1x128xi32, #tpu.memory_space<vmem>>
      %dma_wait3A_195 = tpu.memref_squeeze %dma_wait3A_194 : memref<1x128xi32, #tpu.memory_space<vmem>> -> memref<128xi32, #tpu.memory_space<vmem>>
      %dma_wait3A_196 = arith.constant 0 : i32
      %dma_wait3A_197 = arith.constant 0 : i32
      %dma_wait3A_198 = tpu.memref_slice %arg7[%dma_wait3A_196, %dma_wait3A_197] : memref<8193x128xf32, #tpu.memory_space<vmem_shared>> -> memref<8193x128xf32, #tpu.memory_space<vmem_shared>>
      tpu.wait_indirect_dma semaphore(%arg8 : memref<!tpu.dma_semaphore, #tpu.memory_space<semaphore_mem>>) src(%dma_wait3A_198 : memref<8193x128xf32, #tpu.memory_space<vmem_shared>>) dst(%dma_wait3A_192 : memref<128x128xf32, #tpu.memory_space<vmem>>)
      %add3A_199 = arith.constant 0 : i32
      %add3A_200 = arith.addi %add3A_185, %add3A_199 : i32
      %mul3A_201 = arith.constant 128 : i32
      %mul3A_202 = arith.muli %add3A_200, %mul3A_201 : i32
      %add3A_203 = arith.addi %mul3A_2, %mul3A_202 : i32
      %dma_start3A_204 = arith.constant 0 : i32
      %dma_start3A_205 = arith.constant 0 : i32
      %dma_start3A_206 = arith.constant 0 : i32
      %dma_start3A_207 = tpu.memref_slice %arg6[%dma_start3A_204, %dma_start3A_205, %dma_start3A_206] : memref<2x128x128xf32, #tpu.memory_space<vmem>> -> memref<1x128x128xf32, #tpu.memory_space<vmem>>
      %dma_start3A_208 = tpu.memref_squeeze %dma_start3A_207 : memref<1x128x128xf32, #tpu.memory_space<vmem>> -> memref<128x128xf32, #tpu.memory_space<vmem>>
      %dma_start3A_209 = arith.constant 0 : i32
      %dma_start3A_210 = tpu.memref_slice %arg4[%add3A_203, %dma_start3A_209] : memref<262144x128xf32, #tpu.memory_space<hbm>> -> memref<128x128xf32, #tpu.memory_space<hbm>>
      %dma_start3A_211 = arith.constant 0 : i32
      %dma_start3A_212 = tpu.memref_slice %arg4[%add3A_203, %dma_start3A_211] : memref<262144x128xf32, #tpu.memory_space<hbm>> -> memref<128x128xf32, #tpu.memory_space<hbm>>
      %dma_start3A_213 = arith.constant 0 : i32
      %dma_start3A_214 = arith.constant 0 : i32
      %dma_start3A_215 = tpu.memref_slice %arg6[%dma_start3A_204, %dma_start3A_213, %dma_start3A_214] : memref<2x128x128xf32, #tpu.memory_space<vmem>> -> memref<1x128x128xf32, #tpu.memory_space<vmem>>
      %dma_start3A_216 = tpu.memref_squeeze %dma_start3A_215 : memref<1x128x128xf32, #tpu.memory_space<vmem>> -> memref<128x128xf32, #tpu.memory_space<vmem>>
      tpu.enqueue_dma source(%dma_start3A_216 : memref<128x128xf32, #tpu.memory_space<vmem>>) target(%dma_start3A_212 : memref<128x128xf32, #tpu.memory_space<hbm>>) target_semaphore(%arg9 : memref<!tpu.dma_semaphore, #tpu.memory_space<semaphore_mem>>)
      %add3A_217 = arith.constant 1 : i32
      %add3A_218 = arith.addi %add3A_185, %add3A_217 : i32
      %dma_wait3A_219 = arith.constant 1 : i32
      %dma_wait3A_220 = arith.constant 0 : i32
      %dma_wait3A_221 = arith.constant 0 : i32
      %dma_wait3A_222 = tpu.memref_slice %arg6[%dma_wait3A_219, %dma_wait3A_220, %dma_wait3A_221] : memref<2x128x128xf32, #tpu.memory_space<vmem>> -> memref<1x128x128xf32, #tpu.memory_space<vmem>>
      %dma_wait3A_223 = tpu.memref_squeeze %dma_wait3A_222 : memref<1x128x128xf32, #tpu.memory_space<vmem>> -> memref<128x128xf32, #tpu.memory_space<vmem>>
      %dma_wait3A_224 = arith.constant 0 : i32
      %dma_wait3A_225 = tpu.memref_slice %arg5[%add3A_218, %dma_wait3A_224] : memref<64x128xi32, #tpu.memory_space<vmem>> -> memref<1x128xi32, #tpu.memory_space<vmem>>
      %dma_wait3A_226 = tpu.memref_squeeze %dma_wait3A_225 : memref<1x128xi32, #tpu.memory_space<vmem>> -> memref<128xi32, #tpu.memory_space<vmem>>
      %dma_wait3A_227 = arith.constant 0 : i32
      %dma_wait3A_228 = arith.constant 0 : i32
      %dma_wait3A_229 = tpu.memref_slice %arg7[%dma_wait3A_227, %dma_wait3A_228] : memref<8193x128xf32, #tpu.memory_space<vmem_shared>> -> memref<8193x128xf32, #tpu.memory_space<vmem_shared>>
      tpu.wait_indirect_dma semaphore(%arg8 : memref<!tpu.dma_semaphore, #tpu.memory_space<semaphore_mem>>) src(%dma_wait3A_229 : memref<8193x128xf32, #tpu.memory_space<vmem_shared>>) dst(%dma_wait3A_223 : memref<128x128xf32, #tpu.memory_space<vmem>>)
      %add3A_230 = arith.constant 1 : i32
      %add3A_231 = arith.addi %add3A_185, %add3A_230 : i32
      %mul3A_232 = arith.constant 128 : i32
      %mul3A_233 = arith.muli %add3A_231, %mul3A_232 : i32
      %add3A_234 = arith.addi %mul3A_2, %mul3A_233 : i32
      %dma_start3A_235 = arith.constant 1 : i32
      %dma_start3A_236 = arith.constant 0 : i32
      %dma_start3A_237 = arith.constant 0 : i32
      %dma_start3A_238 = tpu.memref_slice %arg6[%dma_start3A_235, %dma_start3A_236, %dma_start3A_237] : memref<2x128x128xf32, #tpu.memory_space<vmem>> -> memref<1x128x128xf32, #tpu.memory_space<vmem>>
      %dma_start3A_239 = tpu.memref_squeeze %dma_start3A_238 : memref<1x128x128xf32, #tpu.memory_space<vmem>> -> memref<128x128xf32, #tpu.memory_space<vmem>>
      %dma_start3A_240 = arith.constant 0 : i32
      %dma_start3A_241 = tpu.memref_slice %arg4[%add3A_234, %dma_start3A_240] : memref<262144x128xf32, #tpu.memory_space<hbm>> -> memref<128x128xf32, #tpu.memory_space<hbm>>
      %dma_start3A_242 = arith.constant 0 : i32
      %dma_start3A_243 = tpu.memref_slice %arg4[%add3A_234, %dma_start3A_242] : memref<262144x128xf32, #tpu.memory_space<hbm>> -> memref<128x128xf32, #tpu.memory_space<hbm>>
      %dma_start3A_244 = arith.constant 0 : i32
      %dma_start3A_245 = arith.constant 0 : i32
      %dma_start3A_246 = tpu.memref_slice %arg6[%dma_start3A_235, %dma_start3A_244, %dma_start3A_245] : memref<2x128x128xf32, #tpu.memory_space<vmem>> -> memref<1x128x128xf32, #tpu.memory_space<vmem>>
      %dma_start3A_247 = tpu.memref_squeeze %dma_start3A_246 : memref<1x128x128xf32, #tpu.memory_space<vmem>> -> memref<128x128xf32, #tpu.memory_space<vmem>>
      tpu.enqueue_dma source(%dma_start3A_247 : memref<128x128xf32, #tpu.memory_space<vmem>>) target(%dma_start3A_243 : memref<128x128xf32, #tpu.memory_space<hbm>>) target_semaphore(%arg9 : memref<!tpu.dma_semaphore, #tpu.memory_space<semaphore_mem>>)
      %dma_wait3A_248 = arith.constant 0 : i32
      %dma_wait3A_249 = arith.constant 0 : i32
      %dma_wait3A_250 = arith.constant 0 : i32
      %dma_wait3A_251 = tpu.memref_slice %arg6[%dma_wait3A_248, %dma_wait3A_249, %dma_wait3A_250] : memref<2x128x128xf32, #tpu.memory_space<vmem>> -> memref<1x128x128xf32, #tpu.memory_space<vmem>>
      %dma_wait3A_252 = tpu.memref_squeeze %dma_wait3A_251 : memref<1x128x128xf32, #tpu.memory_space<vmem>> -> memref<128x128xf32, #tpu.memory_space<vmem>>
      %dma_wait3A_253 = arith.constant 0 : i32
      %dma_wait3A_254 = tpu.memref_slice %arg4[%mul3A_2, %dma_wait3A_253] : memref<262144x128xf32, #tpu.memory_space<hbm>> -> memref<128x128xf32, #tpu.memory_space<hbm>>
      %dma_wait3A_255 = arith.constant 0 : i32
      %dma_wait3A_256 = tpu.memref_slice %arg4[%mul3A_2, %dma_wait3A_255] : memref<262144x128xf32, #tpu.memory_space<hbm>> -> memref<128x128xf32, #tpu.memory_space<hbm>>
      %dma_wait3A_257 = arith.constant 0 : i32
      %dma_wait3A_258 = arith.constant 0 : i32
      %dma_wait3A_259 = tpu.memref_slice %arg6[%dma_wait3A_248, %dma_wait3A_257, %dma_wait3A_258] : memref<2x128x128xf32, #tpu.memory_space<vmem>> -> memref<1x128x128xf32, #tpu.memory_space<vmem>>
      %dma_wait3A_260 = tpu.memref_squeeze %dma_wait3A_259 : memref<1x128x128xf32, #tpu.memory_space<vmem>> -> memref<128x128xf32, #tpu.memory_space<vmem>>
      tpu.wait_dma2 semaphore(%arg9 : memref<!tpu.dma_semaphore, #tpu.memory_space<semaphore_mem>>) src(%dma_wait3A_260 : memref<128x128xf32, #tpu.memory_space<vmem>>) dst(%dma_wait3A_256 : memref<128x128xf32, #tpu.memory_space<hbm>>)
      %add3A_261 = arith.constant 2 : i32
      %add3A_262 = arith.addi %add3A_185, %add3A_261 : i32
      %add3A_263 = arith.constant 0 : i32
      %add3A_264 = arith.addi %add3A_262, %add3A_263 : i32
      %lt3A = arith.constant 64 : i32
      %lt3A_265 = arith.cmpi slt, %add3A_264, %lt3A : i32
      %convert_element_type3A_266 = arith.extui %lt3A_265 : i1 to i32
      %cond3A_267 = arith.constant 0 : i32
      %cond3A_268 = arith.cmpi ne, %convert_element_type3A_266, %cond3A_267 : i32
      scf.if %cond3A_268 {
        %dma_start3A_291 = arith.constant 0 : i32
        %dma_start3A_292 = arith.constant 0 : i32
        %dma_start3A_293 = arith.constant 0 : i32
        %dma_start3A_294 = tpu.memref_slice %arg6[%dma_start3A_291, %dma_start3A_292, %dma_start3A_293] : memref<2x128x128xf32, #tpu.memory_space<vmem>> -> memref<1x128x128xf32, #tpu.memory_space<vmem>>
        %dma_start3A_295 = tpu.memref_squeeze %dma_start3A_294 : memref<1x128x128xf32, #tpu.memory_space<vmem>> -> memref<128x128xf32, #tpu.memory_space<vmem>>
        %dma_start3A_296 = arith.constant 0 : i32
        %dma_start3A_297 = tpu.memref_slice %arg5[%add3A_264, %dma_start3A_296] : memref<64x128xi32, #tpu.memory_space<vmem>> -> memref<1x128xi32, #tpu.memory_space<vmem>>
        %dma_start3A_298 = tpu.memref_squeeze %dma_start3A_297 : memref<1x128xi32, #tpu.memory_space<vmem>> -> memref<128xi32, #tpu.memory_space<vmem>>
        %dma_start3A_299 = arith.constant 0 : i32
        %dma_start3A_300 = arith.constant 0 : i32
        %dma_start3A_301 = tpu.memref_slice %arg7[%dma_start3A_299, %dma_start3A_300] : memref<8193x128xf32, #tpu.memory_space<vmem_shared>> -> memref<8193x128xf32, #tpu.memory_space<vmem_shared>>
        tpu.enqueue_indirect_dma source(%dma_start3A_301 : memref<8193x128xf32, #tpu.memory_space<vmem_shared>>) target(%dma_start3A_295 : memref<128x128xf32, #tpu.memory_space<vmem>>) offsets(%dma_start3A_298 : memref<128xi32, #tpu.memory_space<vmem>>) semaphore(%arg8 : memref<!tpu.dma_semaphore, #tpu.memory_space<semaphore_mem>>)
      } else {
      }
      %dma_wait3A_269 = arith.constant 1 : i32
      %dma_wait3A_270 = arith.constant 0 : i32
      %dma_wait3A_271 = arith.constant 0 : i32
      %dma_wait3A_272 = tpu.memref_slice %arg6[%dma_wait3A_269, %dma_wait3A_270, %dma_wait3A_271] : memref<2x128x128xf32, #tpu.memory_space<vmem>> -> memref<1x128x128xf32, #tpu.memory_space<vmem>>
      %dma_wait3A_273 = tpu.memref_squeeze %dma_wait3A_272 : memref<1x128x128xf32, #tpu.memory_space<vmem>> -> memref<128x128xf32, #tpu.memory_space<vmem>>
      %dma_wait3A_274 = arith.constant 0 : i32
      %dma_wait3A_275 = tpu.memref_slice %arg4[%mul3A_2, %dma_wait3A_274] : memref<262144x128xf32, #tpu.memory_space<hbm>> -> memref<128x128xf32, #tpu.memory_space<hbm>>
      %dma_wait3A_276 = arith.constant 0 : i32
      %dma_wait3A_277 = tpu.memref_slice %arg4[%mul3A_2, %dma_wait3A_276] : memref<262144x128xf32, #tpu.memory_space<hbm>> -> memref<128x128xf32, #tpu.memory_space<hbm>>
      %dma_wait3A_278 = arith.constant 0 : i32
      %dma_wait3A_279 = arith.constant 0 : i32
      %dma_wait3A_280 = tpu.memref_slice %arg6[%dma_wait3A_269, %dma_wait3A_278, %dma_wait3A_279] : memref<2x128x128xf32, #tpu.memory_space<vmem>> -> memref<1x128x128xf32, #tpu.memory_space<vmem>>
      %dma_wait3A_281 = tpu.memref_squeeze %dma_wait3A_280 : memref<1x128x128xf32, #tpu.memory_space<vmem>> -> memref<128x128xf32, #tpu.memory_space<vmem>>
      tpu.wait_dma2 semaphore(%arg9 : memref<!tpu.dma_semaphore, #tpu.memory_space<semaphore_mem>>) src(%dma_wait3A_281 : memref<128x128xf32, #tpu.memory_space<vmem>>) dst(%dma_wait3A_277 : memref<128x128xf32, #tpu.memory_space<hbm>>)
      %add3A_282 = arith.constant 2 : i32
      %add3A_283 = arith.addi %add3A_185, %add3A_282 : i32
      %add3A_284 = arith.constant 1 : i32
      %add3A_285 = arith.addi %add3A_283, %add3A_284 : i32
      %lt3A_286 = arith.constant 64 : i32
      %lt3A_287 = arith.cmpi slt, %add3A_285, %lt3A_286 : i32
      %convert_element_type3A_288 = arith.extui %lt3A_287 : i1 to i32
      %cond3A_289 = arith.constant 0 : i32
      %cond3A_290 = arith.cmpi ne, %convert_element_type3A_288, %cond3A_289 : i32
      scf.if %cond3A_290 {
        %dma_start3A_291 = arith.constant 1 : i32
        %dma_start3A_292 = arith.constant 0 : i32
        %dma_start3A_293 = arith.constant 0 : i32
        %dma_start3A_294 = tpu.memref_slice %arg6[%dma_start3A_291, %dma_start3A_292, %dma_start3A_293] : memref<2x128x128xf32, #tpu.memory_space<vmem>> -> memref<1x128x128xf32, #tpu.memory_space<vmem>>
        %dma_start3A_295 = tpu.memref_squeeze %dma_start3A_294 : memref<1x128x128xf32, #tpu.memory_space<vmem>> -> memref<128x128xf32, #tpu.memory_space<vmem>>
        %dma_start3A_296 = arith.constant 0 : i32
        %dma_start3A_297 = tpu.memref_slice %arg5[%add3A_285, %dma_start3A_296] : memref<64x128xi32, #tpu.memory_space<vmem>> -> memref<1x128xi32, #tpu.memory_space<vmem>>
        %dma_start3A_298 = tpu.memref_squeeze %dma_start3A_297 : memref<1x128xi32, #tpu.memory_space<vmem>> -> memref<128xi32, #tpu.memory_space<vmem>>
        %dma_start3A_299 = arith.constant 0 : i32
        %dma_start3A_300 = arith.constant 0 : i32
        %dma_start3A_301 = tpu.memref_slice %arg7[%dma_start3A_299, %dma_start3A_300] : memref<8193x128xf32, #tpu.memory_space<vmem_shared>> -> memref<8193x128xf32, #tpu.memory_space<vmem_shared>>
        tpu.enqueue_indirect_dma source(%dma_start3A_301 : memref<8193x128xf32, #tpu.memory_space<vmem_shared>>) target(%dma_start3A_295 : memref<128x128xf32, #tpu.memory_space<vmem>>) offsets(%dma_start3A_298 : memref<128xi32, #tpu.memory_space<vmem>>) semaphore(%arg8 : memref<!tpu.dma_semaphore, #tpu.memory_space<semaphore_mem>>)
      } else {
      }
    }
    %scan3A_180 = arith.constant 31 : i32
    return
  }
}

</mosaic_0001>

<sc_bundles>
// kernel: kernel.3.cloned.1.call-start
scs
__scs_entry_jumppad:
0x0: {  	(pc) =	sbr.rel $0x88, $3  }
0x1: {  	(tag) =	ssettag $0x0;
	lr =	simm.s32 $0x1  }
0x2: {  	[smem:$0x3F9F] =	sst lr;
	_ =	strace $0xD0000000  }
0x3: {  	_ = 	snop  }
0x4: {  	_ = 	snop  }
0x5: {  	_ = 	snop  }
0x6: {  	_ = 	snop  }
0x7: {  	_ = 	snop  }
__scs_overlays_trampoline_lowered:
0x8: {  	[smem:$0x3FAE] =	sst s0  }
0x9: {  	[smem:$0x3FAF] =	sst s1  }
0xa: {  	[smem:$0x3FB0] =	sst s2  }
0xb: {  	[smem:$0x3FB1] =	sst s3  }
0xc: {  	[smem:$0x3FB2] =	sst s4  }
0xd: {  	[smem:$0x3FB3] =	sst s5  }
0xe: {  	[smem:$0x3FB4] =	sst s6  }
0xf: {  	[smem:$0x3FB5] =	sst s7  }
0x10: {  	[smem:$0x3FB6] =	sst s8  }
0x11: {  	[smem:$0x3FB7] =	sst s9;
	s0 =	simm.s32 @!p0 $0x0  }
0x12: {  	s1 =	sld [smem:$0x3F9D];
	s0 =	simm.s32 @p0 $0x1  }
0x13: {  	[smem:$0x3FB8] =	sst s0;
	s0 =	simm.s32 @!p1 $0x0  }
0x14: {  	s2 =	sld [smem:$0x3F9C];
	s0 =	simm.s32 @p1 $0x1  }
0x15: {  	[smem:$0x3FB9] =	sst s0;
	s0 =	simm.s32 @!p2 $0x0  }
0x16: {  	s3 =	sld [smem:$0x3FDB];
	s0 =	simm.s32 @p2 $0x1  }
0x17: {  	s4 =	simm.s32 $0x1BF5;
	[smem:$0x3FBB] =	sst s0  }
0x18: {  	s0 =	sld [smem:$0x3F9E];
	_ =	swait.ge [sflag:s4], $0x0  }
0x19: {  	s7 =	sld [smem:$0x3F9F]  }
0x1a: {  	s8 =	sadd.s32 $0xFFFFE003, lr  }
0x1b: {  	s9 =	sadd.s32 $0xFFFFFEF7, lr;
	s5 =	simm.s32 $0xFFFFFFFF;
	p2 =	slt.u32 s8, $0xFFFFF086  }
0x1c: {  	p1 =	slt.u32 s9, $0xF7A;
	s5 =	simm.s32 @!p2 $0x0  }
0x1d: {  	s5 =	simm.s32 @p1 $0x1;
	p0 =	seq.s32 s7, s2  }
0x1e: {  	s7 =	smul.u32 @!p0 $0xF7A, s2;
	p2 =	seq.s32 @!p0 s5, $0x0  }
0x1f: {  	s9 =	smul.u32 $0xF7A, s1;
	s8 =	simm.s32 @!p0 $0x1BF5;
	p2 =	por !p2, p0  }
0x20: {  	[sflag:s8] =	ssyncset.s32 @!p0 $0xFFFFF086;
	s6 =	sadd.s32 @!p0 s3, s7;
	s7 =	simm.s32 @!p0 $0x108  }
0x21: {  	s3 =	sadd.s32 s3, s9;
	s6 =	sadd.s32 @!p0 $0x88, s6;
	s7 =	simm.s32 @p2 $0x1082  }
0x22: {  	[simem:s7], [sflag:s8] =	dma.local @!p0 [hbm:s6], $0xF7A  }
0x23: {  	s9 =	sor.u32 $0xD0000000, s2;
	s6 =	simm.s32 $0x108;
	_ =	swait.ge @!p0 [sflag:s8], $0x0  }
0x24: {  	s3 =	sadd.s32 $0x88, s3;
	s6 =	simm.s32 @!p1 $0x1082;
	[sflag:s4] =	ssyncset.s32 $0xFFFFF086  }
0x25: {  	[simem:s6], [sflag:s4] =	dma.local [hbm:s3], $0xF7A  }
0x26: {  	[smem:$0x3F9F] =	sst s1;
	(tag) =	ssettag s2;
	_ =	strace s9  }
0x27: {  	s1 =	sld [smem:$0x3FAF]  }
0x28: {  	s2 =	sld [smem:$0x3FB0]  }
0x29: {  	s4 =	sld [smem:$0x3FB2]  }
0x2a: {  	p0 =	seq.s32 s5, $0x0;
	s5 =	sld [smem:$0x3FB3]  }
0x2b: {  	s6 =	sld [smem:$0x3FB4]  }
0x2c: {  	s7 =	sld [smem:$0x3FB5]  }
0x2d: {  	s3 =	simm.s32 $0x108;
	s8 =	sld [smem:$0x3FB6]  }
0x2e: {  	s3 =	simm.s32 @!p0 $0x1082;
	s9 =	sld [smem:$0x3FB7]  }
0x2f: {  	lr =	sadd.s32 s0, s3;
	s0 =	sld [smem:$0x3FAE]  }
0x30: {  	s3 =	sld [smem:$0x3FB1]  }
0x31: {  	[smem:$0x3FBA] =	sst s10  }
0x32: {  	s10 =	sld [smem:$0x3FB8];
	_ =	sdelay $0x3  }
0x33: {  	p0 =	seq.s32 s10, $0x1;
	s10 =	sld [smem:$0x3FBA];
	_ =	sdelay $0x3  }
0x34: {  	[smem:$0x3FBA] =	sst s10  }
0x35: {  	s10 =	sld [smem:$0x3FB9];
	_ =	sdelay $0x3  }
0x36: {  	p1 =	seq.s32 s10, $0x1;
	s10 =	sld [smem:$0x3FBA];
	_ =	sdelay $0x3  }
0x37: {  	[smem:$0x3FBA] =	sst s10  }
0x38: {  	s10 =	sld [smem:$0x3FBB]  }
0x39: {  	_ = 	snop;
	(pc) =	sbr.ind lr, $3  }
0x3a: {  	_ = 	snop  }
0x3b: {  	_ = 	snop  }
0x3c: {  	p2 =	seq.s32 s10, $0x1;
	s10 =	sld [smem:$0x3FBA]  }
0x3d: {  	_ =	shalt  }
0x3e: {  	_ =	shalt  }
0x3f: {  	_ =	shalt  }
0x40: {  	_ =	shalt  }
0x41: {  	_ =	shalt  }
0x42: {  	_ =	shalt  }
0x43: {  	_ =	shalt  }
0x44: {  	_ =	shalt  }
0x45: {  	_ =	shalt  }
0x46: {  	_ =	shalt  }
0x47: {  	_ =	shalt  }
0x48: {  	_ =	shalt  }
0x49: {  	_ =	shalt  }
0x4a: {  	_ =	shalt  }
0x4b: {  	_ =	shalt  }
0x4c: {  	_ =	shalt  }
0x4d: {  	_ =	shalt  }
0x4e: {  	_ =	shalt  }
0x4f: {  	_ =	shalt  }
0x50: {  	_ =	shalt  }
0x51: {  	_ =	shalt  }
0x52: {  	_ =	shalt  }
0x53: {  	_ =	shalt  }
0x54: {  	_ =	shalt  }
0x55: {  	_ =	shalt  }
0x56: {  	_ =	shalt  }
0x57: {  	_ =	shalt  }
0x58: {  	_ =	shalt  }
0x59: {  	_ =	shalt  }
0x5a: {  	_ =	shalt  }
0x5b: {  	_ =	shalt  }
0x5c: {  	_ =	shalt  }
0x5d: {  	_ =	shalt  }
0x5e: {  	_ =	shalt  }
0x5f: {  	_ =	shalt  }
0x60: {  	_ =	shalt  }
0x61: {  	_ =	shalt  }
0x62: {  	_ =	shalt  }
0x63: {  	_ =	shalt  }
0x64: {  	_ =	shalt  }
0x65: {  	_ =	shalt  }
0x66: {  	_ =	shalt  }
0x67: {  	_ =	shalt  }
0x68: {  	_ =	shalt  }
0x69: {  	_ =	shalt  }
0x6a: {  	_ =	shalt  }
0x6b: {  	_ =	shalt  }
0x6c: {  	_ =	shalt  }
0x6d: {  	_ =	shalt  }
0x6e: {  	_ =	shalt  }
0x6f: {  	_ =	shalt  }
0x70: {  	_ =	shalt  }
0x71: {  	_ =	shalt  }
0x72: {  	_ =	shalt  }
0x73: {  	_ =	shalt  }
0x74: {  	_ =	shalt  }
0x75: {  	_ =	shalt  }
0x76: {  	_ =	shalt  }
0x77: {  	_ =	shalt  }
0x78: {  	_ =	shalt  }
0x79: {  	_ =	shalt  }
0x7a: {  	_ =	shalt  }
0x7b: {  	_ =	shalt  }
0x7c: {  	_ =	shalt  }
0x7d: {  	_ =	shalt  }
0x7e: {  	_ =	shalt  }
0x7f: {  	_ =	shalt  }
0x80: {  	_ =	shalt  }
0x81: {  	_ =	shalt  }
0x82: {  	_ =	shalt  }
0x83: {  	_ =	shalt  }
0x84: {  	_ =	shalt  }
0x85: {  	_ =	shalt  }
0x86: {  	_ =	shalt  }
0x87: {  	_ =	shalt  }
.Lfunc_end0:
.L_simem_size_0:
called_computation_lowered:
.L_overlay_start_0:
0x88: {  	s2 =	sld [smem:$0x3FD9]  }
0x89: {  	s3 =	sld [smem:$0x3FFE];
	_ =	sdelay $0x1  }
0x8a: {  	s1 =	srdreg.scid  }
0x8b: {  	s0 =	sand.u32 $0x1, s1  }
0x8c: {  	s17 =	sshll.u32 s0, $0xA;
	s2 =	sadd.s32 s3, s2  }
0x8d: {  	s2 =	sadd.s32 s2, s17  }
0x8e: {  	[smem:$0x3FC6] =	sst s2  }
0x8f: {  	_ = 	snop  }
0x90: {  	s2 =	sld [smem:$0x3FC8]  }
0x91: {  	s18 =	sld [smem:$0x3FD0];
	(tm) =	ssettm $0x1  }
0x92: {  	s4 =	sld [smem:$0x3FFB];
	_ =	sdelay $0x3  }
0x93: {  	_ =	strace s4  }
0x94: {  	s4 =	sld [smem:$0x3FFC];
	_ =	sdelay $0x3  }
0x95: {  	_ =	strace s4  }
0x96: {  	s4 =	sld [smem:$0x3FFD];
	_ =	sdelay $0x3  }
0x97: {  	_ =	strace s4  }
0x98: {  	_ =	strace $0x8FFFFFFF  }
0x99: {  	s19 =	sld [smem:$0x3FDB];
	_ =	sdelay $0x1  }
0x9a: {  	s5 =	simm.s32 $_scs_section_size  }
0x9b: {  	s6 =	simm.s32 $_size__tile_overlayer_lowered;
	s7 =	simm.s32 $_tile_overlayer_lowered  }
0x9c: {  	s22 =	simm.s32 $0x1BFF;
	s21 =	sshll.u32 s7, $0x1;
	s4 =	sadd.s32 s5, s19  }
0x9d: {  	s8 =	simm.s32 $0x0;
	s20 =	sshll.u32 s6, $0x1;
	s6 =	sadd.s32 s21, s4  }
0x9e: {  	[timem:s8], [sflag:s22] =	dma.local [hbm:s6], s20  }
0x9f: {  	_ =	swait.ge [sflag:s22], s20  }
0xa0: {  	s5 =	ssub.s32 $0x0, s20;
	[sflag:s22] =	ssyncset.done $0x0  }
0xa1: {  	[sflag:s22] =	ssyncadd.s32 s5;
	_ =	sdelay $0x1  }
0xa2: {  	s23 =	simm.s32 $0x1B8B  }
0xa3: {  	_ =	swait.ge [sflag:s23], $0x1  }
0xa4: {  	[sflag:s23] =	ssyncset.done $0x0  }
0xa5: {  	s25 =	simm.s32 $0x1B8E;
	s24 =	sld [smem:$0x3FFE];
	[sflag:s23] =	ssyncadd.s32 $0xFFFFFFFF  }
0xa6: {  	s26 =	simm.s32 $execute0_lowered;
	[smem:$0x3FD2] =	sst s25  }
0xa7: {  	s6 =	sshll.u32 s26, $0x1;
	_ =	strace $0x80000046;
	[dreg:$0x1] =	wrdreg $0xFFFFFFFF  }
0xa8: {  	s28 =	simm.s32 $_size_execute0_lowered;
	s4 =	sadd.s32 s4, s6;
	[dreg:$0x0] =	wrdreg $0x0  }
0xa9: {  	s6 =	sshll.u32 s28, $0x1;
	[dreg:$0x2] =	wrdreg s4  }
0xaa: {  	[dreg:$0x3] =	wrdreg s6  }
0xab: {  	[dreg:$0x4] =	wrdreg $0xC0  }
0xac: {  	_ =	task [dreg:s8], $0x5FFFF  }
0xad: {  	[dreg:$0x1] =	wrdreg $0xFFFFFFFF  }
0xae: {  	[dreg:$0x0] =	wrdreg $0x60  }
0xaf: {  	[dreg:$0x2] =	wrdreg s24  }
0xb0: {  	[dreg:$0x3] =	wrdreg s2  }
0xb1: {  	[dreg:$0x4] =	wrdreg s18  }
0xb2: {  	[dreg:$0x5] =	wrdreg $0xA0000  }
0xb3: {  	[dreg:$0x6] =	wrdreg $0x9  }
0xb4: {  	_ =	task.clear_ibuf [dreg:s8], $0x7FFFF;
	_ =	strace $0x90000046  }
0xb5: {  	s29 =	simm.s32 $0x9;
	_ =	strace $0x80000048  }
0xb6: {  	_ =	swait.ge [sflag:s29], $0x1  }
0xb7: {  	[sflag:s29] =	ssyncadd.s32 $0xFFFFFFFF  }
0xb8: {  	_ =	strace $0x90000048  }
0xb9: {  	_ =	sfence  }
0xba: {  	s30 =	sld [smem:$0x0];
	_ =	sdelay $0x2  }
0xbb: {  	s31 =	sshll.u32 s1, $0xD;
	s1 =	sshrl.u32 s1, $0x2  }
0xbc: {  	s3 =	sand.u32 $0x4000, s31;
	s1 =	sadd.s32 s1, s30  }
0xbd: {  	s0 =	sor.u32 s3, s0;
	s1 =	sshll.u32 s1, $0x11  }
0xbe: {  	s0 =	sor.u32 s1, s0  }
0xbf: {  	s0 =	sadd.s32 $0x8F2B, s0  }
0xc0: {  	[sflag:s0] =	ssyncadd.remote.s32 $0x1  }
0xc1: {  	_ =	sfence.sel $0xFFFF  }
0xc2: {  	[dreg:$0x0] =	wrdreg $0xFFFFFFFF;
	(pc) =	sbr.abs _section_cstart, $3  }
0xc3: {  	[dreg:$0x1] =	wrdreg $0xFFFFFFFF  }
0xc4: {  	_ =	task.clear_ibuf [dreg:s8], $0x2FFFF;
	_ =	strace $0x9FFFFFFF  }
0xc5: {  	(tm) =	ssettm $0x7FFFFFFF  }
tec
execute0_lowered:
.L_overlay_start_1:
0x0: {  	(tag) =	ssettag $0x1  }
0x1: {  	s1 =	rddreg [dreg:$0x0]  }
0x2: {  	s0 =	rddreg [dreg:$0x1];
	s2 =	srdreg.scid  }
0x3: {  	s13 =	rddreg [dreg:$0x2];
	s14 =	stileid.u32;
	s3 =	simm.s32 $0x0  }
0x4: {  	s19 =	simm.s32 $0x80;
	s20 =	simm.s32 $0x2000;
	s21 =	simm.s32 $0x6000  }
0x5: {  	s22 =	simm.s32 $0x1;
	s23 =	simm.s32 $0x2;
	s24 =	simm.s32 $0x3  }
0x6: {  	s28 =	simm.s32 $0x180;
	s15 =	sand.u32 $0x1, s2;
	s2 =	rddreg [dreg:$0x3]  }
0x7: {  	s29 =	simm.s32 $0x0;
	s4 =	sshll.u32 s14, $0xE;
	[smem:$0x7FF] =	sst s3  }
0x8: {  	s16 =	sshll.u32 s14, $0x12;
	s6 =	sshll.u32 s14, $0xD;
	p0 =	sne.s32 s14, $0x0  }
0x9: {  	s31 =	sshll.u32 s14, $0x6;
	s14 =	simm.s32 $0x5;
	s5 =	sshll.u32 s15, $0xD  }
0xa: {  	s25 =	ssub.s32 $0x2, s15;
	_ =	strace $0x80000047;
	s30 =	sshrl.u32 s16, $0x2  }
0xb: {  	s6 =	sadd.s32 s0, s6;
	s18 =	sadd.s32 $0x100000, s2;
	s15 =	sshll.u32 s15, $0x11  }
0xc: {  	s7 =	sor.u32 s5, s4;
	s26 =	sshrl.u32 s25, $0x1;
	s18 =	sshrl.u32 @!p0 s18, $0x3  }
0xd: {  	s4 =	sshrl.u32 s7, $0x3;
	s10 =	ssub.s32 s25, s26;
	s8 =	sshll.u32 s7, $0x4  }
0xe: {  	s7 =	sadd.s32 $0x20000, s0;
	s25 =	simm.s32 $0x4;
	s1 =	sadd.s32 s4, s1  }
0xf: {  	s8 =	sadd.s32 s13, s8;
	s10 =	smax.u32 s10, $0x1;
	s13 =	sadd.s32 s16, s13  }
0x10: {  	s16 =	sor.u32 $0x1C03, s31;
	s4 =	sadd.s32 $0x400, s1;
	s5 =	sadd.s32 $0x480, s1  }
0x11: {  	s1 =	sadd.s32 s30, s2;
	s9 =	sadd.s32 $0x800, s8;
	s11 =	sadd.s32 $0x1F000, s8  }
0x12: {  	s12 =	sadd.s32 $0x1F800, s8;
	s13 =	sadd.s32 s15, s13;
	s17 =	sshrl.u32 s1, $0x3  }
.LBB2_1:
0x13: {  	[tilespmem:s3], [sflag:$0x5] =	stream.linear.gather [hbm4b:s4+s3], $0x400, $0x38;
	[tilespmem:$0x1A008] =	vst v63  }
0x14: {  	_ =	swait.ge [sflag:s14], $0x400  }
0x15: {  	[sflag:s14] =	ssyncset.done $0x0  }
0x16: {  	s1 =	simm.s32 $0x400;
	[sflag:s14] =	ssyncadd.s32 $0xFFFFFC00  }
0x17: {  	[tilespmem:s1], [sflag:$0x4] =	stream.linear.gather [hbm4b:s5+s3], $0x1C00, $0x38;
	[tilespmem:$0x1A008] =	vst v63  }
0x18: {  	[spmem:s17], [sflag:s16] =	dma.local [hbm:s6], $0x2000  }
0x19: {  	[spmem:s18], [sflag:s16] =	dma.local @!p0 [hbm:s7], $0x10  }
0x1a: {  	[tilespmem:s20], [sflag:$0x1] =	stream.indirect.gather [hbm4b:s0+s19], $0x80, s3, s19, $0xb8;
	[tilespmem:$0x1A008] =	vst v63  }
0x1b: {  	_ = 	snop  }
0x1c: {  	[tilespmem:s21], [sflag:$0x1] =	stream.indirect.gather [hbm4b:s0+s19], $0x80, s19, s19, $0xb8;
	[tilespmem:$0x1A008] =	vst v63  }
0x1d: {  	_ =	swait.ge [sflag:s22], $0x4000  }
0x1e: {  	[sflag:s22] =	ssyncset.done $0x0  }
0x1f: {  	[sflag:s22] =	ssyncadd.s32 $0xFFFFC000  }
0x20: {  	[hbm4b:s8+s3] =	stream.linear.scatter [tilespmem:s20], [sflag:$0x2], $0x4000, $0x38;
	[tilespmem:$0x1A008] =	vst v63  }
0x21: {  	_ =	swait.ge [sflag:s22], $0x4000  }
0x22: {  	[sflag:s22] =	ssyncset.done $0x0  }
0x23: {  	[sflag:s22] =	ssyncadd.s32 $0xFFFFC000  }
0x24: {  	[hbm4b:s9+s3] =	stream.linear.scatter [tilespmem:s21], [sflag:$0x2], $0x4000, $0x38;
	[tilespmem:$0x1A008] =	vst v63  }
0x25: {  	_ =	swait.ge [sflag:s23], $0x4000  }
0x26: {  	[sflag:s23] =	ssyncset.done $0x0  }
0x27: {  	[sflag:s23] =	ssyncadd.s32 $0xFFFFC000  }
0x28: {  	_ =	swait.ge [sflag:s23], $0x4000  }
0x29: {  	[sflag:s23] =	ssyncset.done $0x0  }
0x2a: {  	[sflag:s23] =	ssyncadd.s32 $0xFFFFC000  }
0x2b: {  	_ =	swait.ge [sflag:s24], $0x2000  }
0x2c: {  	[sflag:s24] =	ssyncset.done $0x0  }
0x2d: {  	[sflag:s24] =	ssyncadd.s32 $0xFFFFE000  }
0x2e: {  	_ =	swait.ge [sflag:s25], $0x1C00  }
0x2f: {  	[sflag:s25] =	ssyncset.done $0x0  }
0x30: {  	s1 =	simm.s32 @!p0 $0x3;
	[sflag:s25] =	ssyncadd.s32 $0xFFFFE400  }
0x31: {  	_ =	swait.ge @!p0 [sflag:s1], $0x10  }
0x32: {  	[sflag:s1] =	ssyncset.done @!p0 $0x0  }
0x33: {  	[sflag:s1] =	ssyncadd.s32 @!p0 $0xFFFFFFF0  }
0x34: {  	s26 =	simm.s32 $0x100;
	[bflag:$0x0] =	sbarrier.arrive $0xFFFF  }
0x35: {  	[tilespmem:s20], [sflag:$0x1] =	stream.indirect.gather [spmem:s2], $0x80, s26, s19, $0xb8;
	[tilespmem:$0x1A008] =	vst v63  }
0x36: {  	_ = 	snop  }
0x37: {  	[tilespmem:s21], [sflag:$0x1] =	stream.indirect.gather [spmem:s2], $0x80, s28, s19, $0xb8;
	[tilespmem:$0x1A008] =	vst v63  }
0x38: {  	_ =	swait.ge [sflag:s22], $0x4000  }
0x39: {  	s15 =	sadd.s32 $0x0, s13;
	[sflag:s22] =	ssyncset.done $0x0  }
0x3a: {  	s30 =	sadd.s32 $0x1000, s15;
	[sflag:s22] =	ssyncadd.s32 $0xFFFFC000  }
0x3b: {  	[hbm4b:s30+s3] =	stream.linear.scatter [tilespmem:s20], [sflag:$0x2], $0x4000, $0x38;
	[tilespmem:$0x1A008] =	vst v63  }
0x3c: {  	_ =	swait.ge [sflag:s22], $0x4000  }
0x3d: {  	[sflag:s22] =	ssyncset.done $0x0  }
0x3e: {  	s1 =	sadd.s32 $0x1800, s15;
	[sflag:s22] =	ssyncadd.s32 $0xFFFFC000  }
0x3f: {  	[hbm4b:s1+s3] =	stream.linear.scatter [tilespmem:s21], [sflag:$0x2], $0x4000, $0x38;
	[tilespmem:$0x1A008] =	vst v63  }
0x40: {  	_ =	swait.ge [sflag:s23], $0x4000  }
0x41: {  	[sflag:s23] =	ssyncset.done $0x0  }
0x42: {  	s26 =	simm.s32 $0x200;
	[sflag:s23] =	ssyncadd.s32 $0xFFFFC000  }
0x43: {  	[tilespmem:s20], [sflag:$0x1] =	stream.indirect.gather [spmem:s2], $0x80, s26, s19, $0xb8;
	[tilespmem:$0x1A008] =	vst v63  }
0x44: {  	_ =	swait.ge [sflag:s23], $0x4000  }
0x45: {  	s31 =	simm.s32 $0x1000;
	[sflag:s23] =	ssyncset.done $0x0  }
0x46: {  	s30 =	simm.s32 $0x280;
	s1 =	simm.s32 $0x380;
	[sflag:s23] =	ssyncadd.s32 $0xFFFFC000  }
.LBB2_2:
0x47: {  	[tilespmem:s21], [sflag:$0x1] =	stream.indirect.gather [spmem:s2], $0x80, s30, s19, $0xb8;
	[tilespmem:$0x1A008] =	vst v63  }
0x48: {  	s15 =	smov.u32 s31;
	s30 =	smov.u32 s1  }
0x49: {  	p1 =	sne.s32 s31, $0x1D000;
	s31 =	sadd.s32 $0x1000, s31;
	_ =	swait.ge [sflag:s22], $0x4000  }
0x4a: {  	s15 =	sadd.s32 s15, s13;
	[sflag:s22] =	ssyncset.done $0x0  }
0x4b: {  	s26 =	sadd.s32 $0x1000, s15;
	[sflag:s22] =	ssyncadd.s32 $0xFFFFC000  }
0x4c: {  	[hbm4b:s26+s3] =	stream.linear.scatter [tilespmem:s20], [sflag:$0x2], $0x4000, $0x38;
	[tilespmem:$0x1A008] =	vst v63  }
0x4d: {  	_ =	swait.ge [sflag:s22], $0x4000  }
0x4e: {  	[sflag:s22] =	ssyncset.done $0x0  }
0x4f: {  	s15 =	sadd.s32 $0x1800, s15;
	[sflag:s22] =	ssyncadd.s32 $0xFFFFC000  }
0x50: {  	[hbm4b:s15+s3] =	stream.linear.scatter [tilespmem:s21], [sflag:$0x2], $0x4000, $0x38;
	[tilespmem:$0x1A008] =	vst v63  }
0x51: {  	_ =	swait.ge [sflag:s23], $0x4000  }
0x52: {  	[sflag:s23] =	ssyncset.done $0x0  }
.Ltmp0:
0x53: {  	s15 =	sadd.s32 $0xFFFFFF80, s1;
	[sflag:s23] =	ssyncadd.s32 $0xFFFFC000;
	(pc) =	sbr.rel @p1 .LBB2_2-.Ltmp0, $4  }
0x54: {  	[tilespmem:s20], [sflag:$0x1] =	stream.indirect.gather [spmem:s2], $0x80, s15, s19, $0xb8;
	[tilespmem:$0x1A008] =	vst v63  }
0x55: {  	_ =	swait.ge [sflag:s23], $0x4000  }
0x56: {  	[sflag:s23] =	ssyncset.done $0x0  }
0x57: {  	s1 =	sadd.s32 $0x100, s1;
	[sflag:s23] =	ssyncadd.s32 $0xFFFFC000  }
0x58: {  	[tilespmem:s21], [sflag:$0x1] =	stream.indirect.gather [spmem:s2], $0x80, s30, s19, $0xb8;
	[tilespmem:$0x1A008] =	vst v63  }
0x59: {  	_ =	swait.ge [sflag:s22], $0x4000  }
0x5a: {  	[sflag:s22] =	ssyncset.done $0x0  }
0x5b: {  	[sflag:s22] =	ssyncadd.s32 $0xFFFFC000  }
0x5c: {  	[hbm4b:s11+s3] =	stream.linear.scatter [tilespmem:s20], [sflag:$0x2], $0x4000, $0x38;
	[tilespmem:$0x1A008] =	vst v63  }
0x5d: {  	_ =	swait.ge [sflag:s22], $0x4000  }
0x5e: {  	[sflag:s22] =	ssyncset.done $0x0  }
0x5f: {  	s29 =	sadd.s32 $0x1, s29;
	[sflag:s22] =	ssyncadd.s32 $0xFFFFC000  }
0x60: {  	[hbm4b:s12+s3] =	stream.linear.scatter [tilespmem:s21], [sflag:$0x2], $0x4000, $0x38;
	[tilespmem:$0x1A008] =	vst v63  }
0x61: {  	p1 =	sne.s32 s29, s10;
	_ =	swait.ge [sflag:s23], $0x4000  }
.Ltmp1:
0x62: {  	[sflag:s23] =	ssyncset.done $0x0;
	(pc) =	sbr.rel @p1 .LBB2_1-.Ltmp1, $4  }
0x63: {  	[sflag:s23] =	ssyncadd.s32 $0xFFFFC000  }
0x64: {  	_ =	swait.ge [sflag:s23], $0x4000  }
0x65: {  	[sflag:s23] =	ssyncset.done $0x0  }
0x66: {  	[sflag:s23] =	ssyncadd.s32 $0xFFFFC000  }
0x67: {  	_ =	sfence.sel $0x180000  }
0x68: {  	[bflag:$0x0] =	sbarrier.arrive $0xFFFF  }
0x69: {  	_ =	strace $0x90000047  }
0x6a: {  	[bflag:$0x2] =	sbarrier.arrive $0xFFFF  }
0x6b: {  	s0 =	rddreg [dreg:$0x4]  }
0x6c: {  	s0 =	sadd.s32 @!p0 $0x100000, s0  }
0x6d: {  	[sflag:s0] =	ssyncadd.tile.s32 @!p0 $0x1;
	_ =	shalt  }
.Lfunc_end2:
_tile_overlayer_lowered:
.L_overlay_start_2:
0x6e: {  	(tag) =	ssettag $0x2  }
0x6f: {  	s0 =	rddreg [dreg:$0x0];
	s2 =	stileid.u32  }
0x70: {  	s1 =	rddreg [dreg:$0x1];
	p0 =	sne.s32 s2, $0x0  }
0x71: {  	s3 =	rddreg [dreg:$0x2];
	[bflag:$0x3] =	sbarrier.arrive $0xFFFF;
	s2 =	simm.s32 @!p0 $0x1C05  }
0x72: {  	[timem:s3], [sflag:s2] =	dma.local @!p0 [hbm:s0], s1  }
0x73: {  	s0 =	simm.s32 @!p0 $0x5  }
0x74: {  	_ =	swait.ge @!p0 [sflag:s0], s1  }
0x75: {  	s1 =	ssub.s32 @!p0 $0x0, s1;
	[sflag:s0] =	ssyncset.done @!p0 $0x0  }
0x76: {  	[sflag:s0] =	ssyncadd.s32 @!p0 s1  }
0x77: {  	[bflag:$0x3] =	sbarrier.arrive $0xFFFF  }
0x78: {  	_ =	shalt  }

</sc_bundles>
